<compile_context>
chip_gen: v7x
topology: tpu7x:2x2x1
jax: 0.10.2.dev20260603
libtpu: 0.0.44.dev20260713+nightly
codegen_flags: <defaults>
</compile_context>

<pallas_src>
import functools

import jax
import jax.numpy as jnp
from jax import lax
from jax.experimental import pallas as pl
from jax.experimental.pallas import tpu as pltpu
from jax.experimental.pallas import tpu_sc as plsc

B, L, D, V = 1024, 200, 64, 1000000
N = B * L
NC, NS = 2, 16
NW = NC * NS
PER_W = N // NW
CH = 128
NCH = PER_W // CH
DW = 2 * D


@functools.lru_cache(maxsize=1)
def _make_gather():
    mesh = plsc.VectorSubcoreMesh(
        core_axis_name="c", subcore_axis_name="s",
        num_cores=NC, num_subcores=NS)

    @functools.partial(
        pl.kernel,
        mesh=mesh,
        out_type=jax.ShapeDtypeStruct((N, DW), jnp.float32),
        scratch_types=[
            pltpu.VMEM((CH,), jnp.int32),
            pltpu.VMEM((CH,), jnp.int32),
            pltpu.VMEM((CH, DW), jnp.float32),
            pltpu.VMEM((CH, DW), jnp.float32),
            pltpu.SemaphoreType.DMA,
            pltpu.SemaphoreType.DMA,
        ],
    )
    def _gather(ft_hbm, idx_hbm, g_hbm, idx0, idx1, b0, b1, sem0, sem1):
        wid = lax.axis_index("s") * NC + lax.axis_index("c")
        base0 = wid * PER_W

        idxs = (idx0, idx1)
        bufs = (b0, b1)
        sems = (sem0, sem1)

        def fire(j, b):
            pltpu.sync_copy(idx_hbm.at[pl.ds(base0 + j * CH, CH)], idxs[b])
            pltpu.async_copy(ft_hbm.at[idxs[b]], bufs[b], sems[b])

        def wait(b):
            pltpu.make_async_copy(ft_hbm.at[idxs[b]], bufs[b], sems[b]).wait()

        fire(0, 0)
        wait(0)

        def pair(o, carry):
            for b in range(2):
                j = 2 * o + b

                @pl.when(j + 1 < NCH)
                def _():
                    fire(j + 1, 1 - b)

                @pl.when(j > 0)
                def _():
                    wait(b)

                pltpu.sync_copy(bufs[b],
                                g_hbm.at[pl.ds(base0 + j * CH, CH)])
            return carry

        lax.fori_loop(0, NCH // 2, pair, 0)

    return _gather


BLK = 512
H = 4 * D


def _ffn_body(x_ref, g_ref, a_ref, be_ref, gm_ref, bb_ref,
              w1_ref, b1_ref, w2_ref, b2_ref, o_ref):
    xb = (x_ref[...] + a_ref[0, 0] * g_ref[:, :D]
          + be_ref[0, 0] * g_ref[:, D:])
    mu = jnp.mean(xb, axis=1, keepdims=True)
    xc = xb - mu
    var = jnp.mean(xc * xc, axis=1, keepdims=True)
    h = xc * lax.rsqrt(var + 1e-5) * gm_ref[...] + bb_ref[...]
    a = jnp.dot(h.astype(jnp.bfloat16), w1_ref[...],
                preferred_element_type=jnp.float32) + b1_ref[...]
    a = a * 0.5 * (1.0 + lax.erf(a * 0.7071067811865476))
    f = jnp.dot(a.astype(jnp.bfloat16), w2_ref[...],
                preferred_element_type=jnp.float32) + b2_ref[...]
    o_ref[...] = xb + f


_ffn = pl.pallas_call(
    _ffn_body,
    grid=(N // BLK,),
    in_specs=[
        pl.BlockSpec((BLK, D), lambda i: (i, 0)),
        pl.BlockSpec((BLK, DW), lambda i: (i, 0)),
        pl.BlockSpec((1, 1), lambda i: (0, 0)),
        pl.BlockSpec((1, 1), lambda i: (0, 0)),
        pl.BlockSpec((1, D), lambda i: (0, 0)),
        pl.BlockSpec((1, D), lambda i: (0, 0)),
        pl.BlockSpec((D, H), lambda i: (0, 0)),
        pl.BlockSpec((1, H), lambda i: (0, 0)),
        pl.BlockSpec((H, D), lambda i: (0, 0)),
        pl.BlockSpec((1, D), lambda i: (0, 0)),
    ],
    out_specs=pl.BlockSpec((BLK, D), lambda i: (i, 0)),
    out_shape=jax.ShapeDtypeStruct((N, D), jnp.float32),
)


@jax.jit
def kernel(x, idx, concept_table, law_table, alpha, beta, ln_gamma, ln_beta,
           W1, b1, W2, b2):
    xf = x.reshape(N, D)
    idxf = idx.reshape(N).astype(jnp.int32)
    fused = jnp.concatenate([concept_table, law_table], axis=1)
    g = _make_gather()(fused, idxf)
    out = _ffn(xf, g, alpha.reshape(1, 1), beta.reshape(1, 1),
               ln_gamma.reshape(1, D), ln_beta.reshape(1, D),
               W1.astype(jnp.bfloat16), b1.reshape(1, H),
               W2.astype(jnp.bfloat16), b2.reshape(1, D))
    return out.reshape(B, L, D)

# --- scband reference (transcript-rebuilt; emitter-appended) ---
"""Pipeline reference for scband-concept-adapter-9363028706232 (READ-ONLY COPY).

The authoritative reference and input builder live on the scoring server;
editing this copy changes nothing except your own understanding.
"""

import jax, jax.numpy as jnp
import numpy as np

B, L, D, V = 1024, 200, 64, 1000000

def setup_inputs(seed: int = 0) -> dict:
    key = jax.random.key(seed)
    ks = jax.random.split(key, 8)
    x = jax.random.normal(ks[0], (B, L, D), dtype=jnp.float32)
    idx = jax.random.randint(ks[1], (B, L), 0, V, dtype=jnp.int64) if jax.config.jax_enable_x64 else jax.random.randint(ks[1], (B, L), 0, V, dtype=jnp.int32)
    concept_table = jax.random.normal(ks[2], (V, D), dtype=jnp.float32) * 0.02
    law_table = jax.random.normal(ks[3], (V, D), dtype=jnp.float32) * 0.02
    alpha = jnp.asarray(0.5, dtype=jnp.float32)
    beta = jnp.asarray(0.3, dtype=jnp.float32)
    ln_gamma = jnp.ones((D,), dtype=jnp.float32)
    ln_beta = jnp.zeros((D,), dtype=jnp.float32)
    W1 = jax.random.normal(ks[4], (D, 4 * D), dtype=jnp.float32) * 0.02
    b1 = jnp.zeros((4 * D,), dtype=jnp.float32)
    W2 = jax.random.normal(ks[5], (4 * D, D), dtype=jnp.float32) * 0.02
    b2 = jnp.zeros((D,), dtype=jnp.float32)
    return {"x": x, "idx": idx, "concept_table": concept_table, "law_table": law_table,
            "alpha": alpha, "beta": beta, "ln_gamma": ln_gamma, "ln_beta": ln_beta,
            "W1": W1, "b1": b1, "W2": W2, "b2": b2}

def _layernorm(x, gamma, beta, eps=1e-5):
    mu = jnp.mean(x, axis=-1, keepdims=True)
    var = jnp.mean(jnp.square(x - mu), axis=-1, keepdims=True)
    return (x - mu) / jnp.sqrt(var + eps) * gamma + beta

def reference(x, idx, concept_table, law_table, alpha, beta, ln_gamma, ln_beta, W1, b1, W2, b2):
    concept = jnp.take(concept_table, idx, axis=0)
    law = jnp.take(law_table, idx, axis=0)
    x = x + alpha * concept + beta * law
    h = _layernorm(x, ln_gamma, ln_beta)
    ffn = jax.nn.gelu(h @ W1 + b1, approximate=False) @ W2 + b2
    return x + ffn

if __name__ == "__main__":
    import jax
    _d = setup_inputs()
    print(jax.jit(kernel)(*tuple(_d.values())))

</pallas_src>

<mosaic_0001>
#map = affine_map<(d0, d1) -> (0, 0)>
#map1 = affine_map<(d0, d1) -> (0)>
module attributes {stable_mosaic.version = 14 : i64} {
  func.func @_gather(%arg0: i32, %arg1: i32, %arg2: memref<1000000x128xf32, #tpu.memory_space<hbm>>, %arg3: memref<204800xi32, #tpu.memory_space<hbm>>, %arg4: memref<204800x128xf32, #tpu.memory_space<hbm>>, %arg5: memref<128xi32, #tpu.memory_space<vmem>>, %arg6: memref<128xi32, #tpu.memory_space<vmem>>, %arg7: memref<128x128xf32, #tpu.memory_space<vmem>>, %arg8: memref<128x128xf32, #tpu.memory_space<vmem>>, %arg9: memref<!tpu.dma_semaphore, #tpu.memory_space<semaphore_mem>>, %arg10: memref<!tpu.dma_semaphore, #tpu.memory_space<semaphore_mem>>) attributes {dimension_semantics = [#tpu.dimension_semantics<core_parallel>, #tpu.dimension_semantics<subcore_parallel>], iteration_bounds = array<i64: 2, 16>, scalar_prefetch = 0 : i64, scratch_operands = 6 : i64, tpu.core_type = #tpu.core_type<sc_vector_subcore>, window_params = [{transform_indices = #map}, {transform_indices = #map1}, {transform_indices = #map}]} {
    %mul3A = arith.constant 2 : i32
    %mul3A_0 = arith.muli %arg1, %mul3A : i32
    %add3A = arith.addi %mul3A_0, %arg0 : i32
    %mul3A_1 = arith.constant 6400 : i32
    %mul3A_2 = arith.muli %add3A, %mul3A_1 : i32
    %add3A_3 = arith.constant 0 : i32
    %add3A_4 = arith.addi %mul3A_2, %add3A_3 : i32
    "tpu.region"() ({
      %run_scoped3A = tpu.sem_alloc : memref<!tpu.dma_semaphore, #tpu.memory_space<semaphore_mem>>
      %dma_start3A_14 = tpu.memref_slice %arg3[%add3A_4] : memref<204800xi32, #tpu.memory_space<hbm>> -> memref<128xi32, #tpu.memory_space<hbm>>
      %dma_start3A_15 = tpu.memref_slice %arg3[%add3A_4] : memref<204800xi32, #tpu.memory_space<hbm>> -> memref<128xi32, #tpu.memory_space<hbm>>
      tpu.enqueue_dma source(%dma_start3A_15 : memref<128xi32, #tpu.memory_space<hbm>>) target(%arg5 : memref<128xi32, #tpu.memory_space<vmem>>) target_semaphore(%run_scoped3A : memref<!tpu.dma_semaphore, #tpu.memory_space<semaphore_mem>>)
      %dma_wait3A_16 = tpu.memref_slice %arg3[%add3A_4] : memref<204800xi32, #tpu.memory_space<hbm>> -> memref<128xi32, #tpu.memory_space<hbm>>
      %dma_wait3A_17 = tpu.memref_slice %arg3[%add3A_4] : memref<204800xi32, #tpu.memory_space<hbm>> -> memref<128xi32, #tpu.memory_space<hbm>>
      tpu.wait_dma2 semaphore(%run_scoped3A : memref<!tpu.dma_semaphore, #tpu.memory_space<semaphore_mem>>) src(%dma_wait3A_17 : memref<128xi32, #tpu.memory_space<hbm>>) dst(%arg5 : memref<128xi32, #tpu.memory_space<vmem>>)
      tpu.yield
    }) : () -> ()
    %dma_start3A = arith.constant 0 : i32
    %dma_start3A_5 = arith.constant 0 : i32
    %dma_start3A_6 = tpu.memref_slice %arg2[%dma_start3A, %dma_start3A_5] : memref<1000000x128xf32, #tpu.memory_space<hbm>> -> memref<1000000x128xf32, #tpu.memory_space<hbm>>
    tpu.enqueue_indirect_dma source(%dma_start3A_6 : memref<1000000x128xf32, #tpu.memory_space<hbm>>) target(%arg7 : memref<128x128xf32, #tpu.memory_space<vmem>>) offsets(%arg5 : memref<128xi32, #tpu.memory_space<vmem>>) semaphore(%arg9 : memref<!tpu.dma_semaphore, #tpu.memory_space<semaphore_mem>>)
    %dma_wait3A = arith.constant 0 : i32
    %dma_wait3A_7 = arith.constant 0 : i32
    %dma_wait3A_8 = tpu.memref_slice %arg2[%dma_wait3A, %dma_wait3A_7] : memref<1000000x128xf32, #tpu.memory_space<hbm>> -> memref<1000000x128xf32, #tpu.memory_space<hbm>>
    tpu.wait_indirect_dma semaphore(%arg9 : memref<!tpu.dma_semaphore, #tpu.memory_space<semaphore_mem>>) src(%dma_wait3A_8 : memref<1000000x128xf32, #tpu.memory_space<hbm>>) dst(%arg7 : memref<128x128xf32, #tpu.memory_space<vmem>>)
    %scan3A = arith.constant 0 : i32
    %scan3A_9 = arith.constant 0 : i32
    %scan3A_10 = arith.constant 25 : i32
    %scan3A_11 = arith.addi %scan3A_9, %scan3A_10 : i32
    %scan3A_12 = arith.constant 1 : i32
    scf.for %scan3A_14 = %scan3A_9 to %scan3A_11 step %scan3A_12  : i32 {
      %mul3A_15 = arith.constant 2 : i32
      %mul3A_16 = arith.muli %mul3A_15, %scan3A_14 : i32
      %add3A_17 = arith.constant 0 : i32
      %add3A_18 = arith.addi %mul3A_16, %add3A_17 : i32
      %add3A_19 = arith.constant 1 : i32
      %add3A_20 = arith.addi %add3A_18, %add3A_19 : i32
      %lt3A = arith.constant 50 : i32
      %lt3A_21 = arith.cmpi slt, %add3A_20, %lt3A : i32
      %convert_element_type3A = arith.extui %lt3A_21 : i1 to i32
      %cond3A = arith.constant 0 : i32
      %cond3A_22 = arith.cmpi ne, %convert_element_type3A, %cond3A : i32
      scf.if %cond3A_22 {
        %add3A_49 = arith.constant 1 : i32
        %add3A_50 = arith.addi %add3A_18, %add3A_49 : i32
        %mul3A_51 = arith.constant 128 : i32
        %mul3A_52 = arith.muli %add3A_50, %mul3A_51 : i32
        %add3A_53 = arith.addi %mul3A_2, %mul3A_52 : i32
        "tpu.region"() ({
          %run_scoped3A = tpu.sem_alloc : memref<!tpu.dma_semaphore, #tpu.memory_space<semaphore_mem>>
          %dma_start3A_57 = tpu.memref_slice %arg3[%add3A_53] : memref<204800xi32, #tpu.memory_space<hbm>> -> memref<128xi32, #tpu.memory_space<hbm>>
          %dma_start3A_58 = tpu.memref_slice %arg3[%add3A_53] : memref<204800xi32, #tpu.memory_space<hbm>> -> memref<128xi32, #tpu.memory_space<hbm>>
          tpu.enqueue_dma source(%dma_start3A_58 : memref<128xi32, #tpu.memory_space<hbm>>) target(%arg6 : memref<128xi32, #tpu.memory_space<vmem>>) target_semaphore(%run_scoped3A : memref<!tpu.dma_semaphore, #tpu.memory_space<semaphore_mem>>)
          %dma_wait3A_59 = tpu.memref_slice %arg3[%add3A_53] : memref<204800xi32, #tpu.memory_space<hbm>> -> memref<128xi32, #tpu.memory_space<hbm>>
          %dma_wait3A_60 = tpu.memref_slice %arg3[%add3A_53] : memref<204800xi32, #tpu.memory_space<hbm>> -> memref<128xi32, #tpu.memory_space<hbm>>
          tpu.wait_dma2 semaphore(%run_scoped3A : memref<!tpu.dma_semaphore, #tpu.memory_space<semaphore_mem>>) src(%dma_wait3A_60 : memref<128xi32, #tpu.memory_space<hbm>>) dst(%arg6 : memref<128xi32, #tpu.memory_space<vmem>>)
          tpu.yield
        }) : () -> ()
        %dma_start3A_54 = arith.constant 0 : i32
        %dma_start3A_55 = arith.constant 0 : i32
        %dma_start3A_56 = tpu.memref_slice %arg2[%dma_start3A_54, %dma_start3A_55] : memref<1000000x128xf32, #tpu.memory_space<hbm>> -> memref<1000000x128xf32, #tpu.memory_space<hbm>>
        tpu.enqueue_indirect_dma source(%dma_start3A_56 : memref<1000000x128xf32, #tpu.memory_space<hbm>>) target(%arg8 : memref<128x128xf32, #tpu.memory_space<vmem>>) offsets(%arg6 : memref<128xi32, #tpu.memory_space<vmem>>) semaphore(%arg10 : memref<!tpu.dma_semaphore, #tpu.memory_space<semaphore_mem>>)
      } else {
      }
      %gt3A = arith.constant 0 : i32
      %gt3A_23 = arith.cmpi sgt, %add3A_18, %gt3A : i32
      %convert_element_type3A_24 = arith.extui %gt3A_23 : i1 to i32
      %cond3A_25 = arith.constant 0 : i32
      %cond3A_26 = arith.cmpi ne, %convert_element_type3A_24, %cond3A_25 : i32
      scf.if %cond3A_26 {
        %dma_wait3A_49 = arith.constant 0 : i32
        %dma_wait3A_50 = arith.constant 0 : i32
        %dma_wait3A_51 = tpu.memref_slice %arg2[%dma_wait3A_49, %dma_wait3A_50] : memref<1000000x128xf32, #tpu.memory_space<hbm>> -> memref<1000000x128xf32, #tpu.memory_space<hbm>>
        tpu.wait_indirect_dma semaphore(%arg9 : memref<!tpu.dma_semaphore, #tpu.memory_space<semaphore_mem>>) src(%dma_wait3A_51 : memref<1000000x128xf32, #tpu.memory_space<hbm>>) dst(%arg7 : memref<128x128xf32, #tpu.memory_space<vmem>>)
      } else {
      }
      %mul3A_27 = arith.constant 128 : i32
      %mul3A_28 = arith.muli %add3A_18, %mul3A_27 : i32
      %add3A_29 = arith.addi %mul3A_2, %mul3A_28 : i32
      "tpu.region"() ({
        %run_scoped3A = tpu.sem_alloc : memref<!tpu.dma_semaphore, #tpu.memory_space<semaphore_mem>>
        %dma_start3A_49 = arith.constant 0 : i32
        %dma_start3A_50 = tpu.memref_slice %arg4[%add3A_29, %dma_start3A_49] : memref<204800x128xf32, #tpu.memory_space<hbm>> -> memref<128x128xf32, #tpu.memory_space<hbm>>
        %dma_start3A_51 = arith.constant 0 : i32
        %dma_start3A_52 = tpu.memref_slice %arg4[%add3A_29, %dma_start3A_51] : memref<204800x128xf32, #tpu.memory_space<hbm>> -> memref<128x128xf32, #tpu.memory_space<hbm>>
        tpu.enqueue_dma source(%arg7 : memref<128x128xf32, #tpu.memory_space<vmem>>) target(%dma_start3A_52 : memref<128x128xf32, #tpu.memory_space<hbm>>) target_semaphore(%run_scoped3A : memref<!tpu.dma_semaphore, #tpu.memory_space<semaphore_mem>>)
        %dma_wait3A_53 = arith.constant 0 : i32
        %dma_wait3A_54 = tpu.memref_slice %arg4[%add3A_29, %dma_wait3A_53] : memref<204800x128xf32, #tpu.memory_space<hbm>> -> memref<128x128xf32, #tpu.memory_space<hbm>>
        %dma_wait3A_55 = arith.constant 0 : i32
        %dma_wait3A_56 = tpu.memref_slice %arg4[%add3A_29, %dma_wait3A_55] : memref<204800x128xf32, #tpu.memory_space<hbm>> -> memref<128x128xf32, #tpu.memory_space<hbm>>
        tpu.wait_dma2 semaphore(%run_scoped3A : memref<!tpu.dma_semaphore, #tpu.memory_space<semaphore_mem>>) src(%arg7 : memref<128x128xf32, #tpu.memory_space<vmem>>) dst(%dma_wait3A_56 : memref<128x128xf32, #tpu.memory_space<hbm>>)
        tpu.yield
      }) : () -> ()
      %mul3A_30 = arith.constant 2 : i32
      %mul3A_31 = arith.muli %mul3A_30, %scan3A_14 : i32
      %add3A_32 = arith.constant 1 : i32
      %add3A_33 = arith.addi %mul3A_31, %add3A_32 : i32
      %add3A_34 = arith.constant 1 : i32
      %add3A_35 = arith.addi %add3A_33, %add3A_34 : i32
      %lt3A_36 = arith.constant 50 : i32
      %lt3A_37 = arith.cmpi slt, %add3A_35, %lt3A_36 : i32
      %convert_element_type3A_38 = arith.extui %lt3A_37 : i1 to i32
      %cond3A_39 = arith.constant 0 : i32
      %cond3A_40 = arith.cmpi ne, %convert_element_type3A_38, %cond3A_39 : i32
      scf.if %cond3A_40 {
        %add3A_49 = arith.constant 1 : i32
        %add3A_50 = arith.addi %add3A_33, %add3A_49 : i32
        %mul3A_51 = arith.constant 128 : i32
        %mul3A_52 = arith.muli %add3A_50, %mul3A_51 : i32
        %add3A_53 = arith.addi %mul3A_2, %mul3A_52 : i32
        "tpu.region"() ({
          %run_scoped3A = tpu.sem_alloc : memref<!tpu.dma_semaphore, #tpu.memory_space<semaphore_mem>>
          %dma_start3A_57 = tpu.memref_slice %arg3[%add3A_53] : memref<204800xi32, #tpu.memory_space<hbm>> -> memref<128xi32, #tpu.memory_space<hbm>>
          %dma_start3A_58 = tpu.memref_slice %arg3[%add3A_53] : memref<204800xi32, #tpu.memory_space<hbm>> -> memref<128xi32, #tpu.memory_space<hbm>>
          tpu.enqueue_dma source(%dma_start3A_58 : memref<128xi32, #tpu.memory_space<hbm>>) target(%arg5 : memref<128xi32, #tpu.memory_space<vmem>>) target_semaphore(%run_scoped3A : memref<!tpu.dma_semaphore, #tpu.memory_space<semaphore_mem>>)
          %dma_wait3A_59 = tpu.memref_slice %arg3[%add3A_53] : memref<204800xi32, #tpu.memory_space<hbm>> -> memref<128xi32, #tpu.memory_space<hbm>>
          %dma_wait3A_60 = tpu.memref_slice %arg3[%add3A_53] : memref<204800xi32, #tpu.memory_space<hbm>> -> memref<128xi32, #tpu.memory_space<hbm>>
          tpu.wait_dma2 semaphore(%run_scoped3A : memref<!tpu.dma_semaphore, #tpu.memory_space<semaphore_mem>>) src(%dma_wait3A_60 : memref<128xi32, #tpu.memory_space<hbm>>) dst(%arg5 : memref<128xi32, #tpu.memory_space<vmem>>)
          tpu.yield
        }) : () -> ()
        %dma_start3A_54 = arith.constant 0 : i32
        %dma_start3A_55 = arith.constant 0 : i32
        %dma_start3A_56 = tpu.memref_slice %arg2[%dma_start3A_54, %dma_start3A_55] : memref<1000000x128xf32, #tpu.memory_space<hbm>> -> memref<1000000x128xf32, #tpu.memory_space<hbm>>
        tpu.enqueue_indirect_dma source(%dma_start3A_56 : memref<1000000x128xf32, #tpu.memory_space<hbm>>) target(%arg7 : memref<128x128xf32, #tpu.memory_space<vmem>>) offsets(%arg5 : memref<128xi32, #tpu.memory_space<vmem>>) semaphore(%arg9 : memref<!tpu.dma_semaphore, #tpu.memory_space<semaphore_mem>>)
      } else {
      }
      %gt3A_41 = arith.constant 0 : i32
      %gt3A_42 = arith.cmpi sgt, %add3A_33, %gt3A_41 : i32
      %convert_element_type3A_43 = arith.extui %gt3A_42 : i1 to i32
      %cond3A_44 = arith.constant 0 : i32
      %cond3A_45 = arith.cmpi ne, %convert_element_type3A_43, %cond3A_44 : i32
      scf.if %cond3A_45 {
        %dma_wait3A_49 = arith.constant 0 : i32
        %dma_wait3A_50 = arith.constant 0 : i32
        %dma_wait3A_51 = tpu.memref_slice %arg2[%dma_wait3A_49, %dma_wait3A_50] : memref<1000000x128xf32, #tpu.memory_space<hbm>> -> memref<1000000x128xf32, #tpu.memory_space<hbm>>
        tpu.wait_indirect_dma semaphore(%arg10 : memref<!tpu.dma_semaphore, #tpu.memory_space<semaphore_mem>>) src(%dma_wait3A_51 : memref<1000000x128xf32, #tpu.memory_space<hbm>>) dst(%arg8 : memref<128x128xf32, #tpu.memory_space<vmem>>)
      } else {
      }
      %mul3A_46 = arith.constant 128 : i32
      %mul3A_47 = arith.muli %add3A_33, %mul3A_46 : i32
      %add3A_48 = arith.addi %mul3A_2, %mul3A_47 : i32
      "tpu.region"() ({
        %run_scoped3A = tpu.sem_alloc : memref<!tpu.dma_semaphore, #tpu.memory_space<semaphore_mem>>
        %dma_start3A_49 = arith.constant 0 : i32
        %dma_start3A_50 = tpu.memref_slice %arg4[%add3A_48, %dma_start3A_49] : memref<204800x128xf32, #tpu.memory_space<hbm>> -> memref<128x128xf32, #tpu.memory_space<hbm>>
        %dma_start3A_51 = arith.constant 0 : i32
        %dma_start3A_52 = tpu.memref_slice %arg4[%add3A_48, %dma_start3A_51] : memref<204800x128xf32, #tpu.memory_space<hbm>> -> memref<128x128xf32, #tpu.memory_space<hbm>>
        tpu.enqueue_dma source(%arg8 : memref<128x128xf32, #tpu.memory_space<vmem>>) target(%dma_start3A_52 : memref<128x128xf32, #tpu.memory_space<hbm>>) target_semaphore(%run_scoped3A : memref<!tpu.dma_semaphore, #tpu.memory_space<semaphore_mem>>)
        %dma_wait3A_53 = arith.constant 0 : i32
        %dma_wait3A_54 = tpu.memref_slice %arg4[%add3A_48, %dma_wait3A_53] : memref<204800x128xf32, #tpu.memory_space<hbm>> -> memref<128x128xf32, #tpu.memory_space<hbm>>
        %dma_wait3A_55 = arith.constant 0 : i32
        %dma_wait3A_56 = tpu.memref_slice %arg4[%add3A_48, %dma_wait3A_55] : memref<204800x128xf32, #tpu.memory_space<hbm>> -> memref<128x128xf32, #tpu.memory_space<hbm>>
        tpu.wait_dma2 semaphore(%run_scoped3A : memref<!tpu.dma_semaphore, #tpu.memory_space<semaphore_mem>>) src(%arg8 : memref<128x128xf32, #tpu.memory_space<vmem>>) dst(%dma_wait3A_56 : memref<128x128xf32, #tpu.memory_space<hbm>>)
        tpu.yield
      }) : () -> ()
    }
    %scan3A_13 = arith.constant 25 : i32
    return
  }
}

module attributes {stable_mosaic.version = 14 : i64} {
  func.func @_ffn_body(%arg0: i32, %arg1: memref<512x64xf32, #tpu.memory_space<vmem>>, %arg2: memref<512x128xf32, #tpu.memory_space<vmem>>, %arg3: memref<1x1xf32, #tpu.memory_space<vmem>>, %arg4: memref<1x1xf32, #tpu.memory_space<vmem>>, %arg5: memref<1x64xf32, #tpu.memory_space<vmem>>, %arg6: memref<1x64xf32, #tpu.memory_space<vmem>>, %arg7: memref<64x256xbf16, #tpu.memory_space<vmem>>, %arg8: memref<1x256xf32, #tpu.memory_space<vmem>>, %arg9: memref<256x64xbf16, #tpu.memory_space<vmem>>, %arg10: memref<1x64xf32, #tpu.memory_space<vmem>>, %arg11: memref<512x64xf32, #tpu.memory_space<vmem>>) attributes {dimension_semantics = [#tpu.dimension_semantics<arbitrary>], iteration_bounds = array<i64: 400>, scalar_prefetch = 0 : i64, scratch_operands = 0 : i64, tpu.core_type = #tpu.core_type<tc>, window_params = [{transform_indices = @transform_0, window_bounds = array<i64: 512, 64>}, {transform_indices = @transform_1, window_bounds = array<i64: 512, 128>}, {pipeline_mode = #tpu.pipeline_mode<synchronous>, transform_indices = @transform_2, window_bounds = array<i64: 1, 1>}, {pipeline_mode = #tpu.pipeline_mode<synchronous>, transform_indices = @transform_3, window_bounds = array<i64: 1, 1>}, {pipeline_mode = #tpu.pipeline_mode<synchronous>, transform_indices = @transform_4, window_bounds = array<i64: 1, 64>}, {pipeline_mode = #tpu.pipeline_mode<synchronous>, transform_indices = @transform_5, window_bounds = array<i64: 1, 64>}, {pipeline_mode = #tpu.pipeline_mode<synchronous>, transform_indices = @transform_6, window_bounds = array<i64: 64, 256>}, {pipeline_mode = #tpu.pipeline_mode<synchronous>, transform_indices = @transform_7, window_bounds = array<i64: 1, 256>}, {pipeline_mode = #tpu.pipeline_mode<synchronous>, transform_indices = @transform_8, window_bounds = array<i64: 256, 64>}, {pipeline_mode = #tpu.pipeline_mode<synchronous>, transform_indices = @transform_9, window_bounds = array<i64: 1, 64>}, {transform_indices = @transform_10, window_bounds = array<i64: 512, 64>}]} {
    %get3A = arith.constant 0 : index
    %get3A_0 = arith.constant 0 : index
    %get3A_1 = vector.load %arg1[%get3A, %get3A_0] : memref<512x64xf32, #tpu.memory_space<vmem>>, vector<512x64xf32>
    %get3A_2 = arith.constant 0 : index
    %get3A_3 = arith.constant 0 : index
    %get3A_4 = vector.load %arg3[%get3A_2, %get3A_3] : memref<1x1xf32, #tpu.memory_space<vmem>>, vector<1x1xf32>
    %get3A_5 = vector.extract %get3A_4[0, 0] : f32 from vector<1x1xf32>
    %get3A_6 = arith.constant 0 : index
    %get3A_7 = arith.constant 0 : index
    %get3A_8 = vector.load %arg2[%get3A_6, %get3A_7] : memref<512x128xf32, #tpu.memory_space<vmem>>, vector<512x64xf32>
    %mul3A = vector.broadcast %get3A_5 : f32 to vector<512x64xf32>
    %mul3A_9 = arith.mulf %mul3A, %get3A_8 : vector<512x64xf32>
    %add3A = arith.addf %get3A_1, %mul3A_9 : vector<512x64xf32>
    %get3A_10 = arith.constant 0 : index
    %get3A_11 = arith.constant 0 : index
    %get3A_12 = vector.load %arg4[%get3A_10, %get3A_11] : memref<1x1xf32, #tpu.memory_space<vmem>>, vector<1x1xf32>
    %get3A_13 = vector.extract %get3A_12[0, 0] : f32 from vector<1x1xf32>
    %get3A_14 = arith.constant 0 : index
    %get3A_15 = arith.constant 64 : index
    %get3A_16 = vector.load %arg2[%get3A_14, %get3A_15] : memref<512x128xf32, #tpu.memory_space<vmem>>, vector<512x64xf32>
    %mul3A_17 = vector.broadcast %get3A_13 : f32 to vector<512x64xf32>
    %mul3A_18 = arith.mulf %mul3A_17, %get3A_16 : vector<512x64xf32>
    %add3A_19 = arith.addf %add3A, %mul3A_18 : vector<512x64xf32>
    %reduce_sum3A = arith.constant dense<0.000000e+00> : vector<512xf32>
    %reduce_sum3A_20 = vector.multi_reduction <add>, %add3A_19, %reduce_sum3A [1] : vector<512x64xf32> to vector<512xf32>
    %broadcast_in_dim3A = vector.shape_cast %reduce_sum3A_20 : vector<512xf32> to vector<512x1xf32>
    %div3A = arith.constant 6.400000e+01 : f32
    %div3A_21 = vector.broadcast %div3A : f32 to vector<512x1xf32>
    %div3A_22 = arith.divf %broadcast_in_dim3A, %div3A_21 : vector<512x1xf32>
    %sub3A = vector.broadcast %div3A_22 : vector<512x1xf32> to vector<512x64xf32>
    %sub3A_23 = arith.subf %add3A_19, %sub3A : vector<512x64xf32>
    %mul3A_24 = arith.mulf %sub3A_23, %sub3A_23 : vector<512x64xf32>
    %reduce_sum3A_25 = arith.constant dense<0.000000e+00> : vector<512xf32>
    %reduce_sum3A_26 = vector.multi_reduction <add>, %mul3A_24, %reduce_sum3A_25 [1] : vector<512x64xf32> to vector<512xf32>
    %broadcast_in_dim3A_27 = vector.shape_cast %reduce_sum3A_26 : vector<512xf32> to vector<512x1xf32>
    %div3A_28 = arith.constant 6.400000e+01 : f32
    %div3A_29 = vector.broadcast %div3A_28 : f32 to vector<512x1xf32>
    %div3A_30 = arith.divf %broadcast_in_dim3A_27, %div3A_29 : vector<512x1xf32>
    %add3A_31 = arith.constant 9.99999974E-6 : f32
    %add3A_32 = vector.broadcast %add3A_31 : f32 to vector<512x1xf32>
    %add3A_33 = arith.addf %div3A_30, %add3A_32 : vector<512x1xf32>
    %rsqrt3A = math.rsqrt %add3A_33 : vector<512x1xf32>
    %mul3A_34 = vector.broadcast %rsqrt3A : vector<512x1xf32> to vector<512x64xf32>
    %mul3A_35 = arith.mulf %sub3A_23, %mul3A_34 : vector<512x64xf32>
    %get3A_36 = arith.constant 0 : index
    %get3A_37 = arith.constant 0 : index
    %get3A_38 = vector.load %arg5[%get3A_36, %get3A_37] : memref<1x64xf32, #tpu.memory_space<vmem>>, vector<1x64xf32>
    %mul3A_39 = vector.broadcast %get3A_38 : vector<1x64xf32> to vector<512x64xf32>
    %mul3A_40 = arith.mulf %mul3A_35, %mul3A_39 : vector<512x64xf32>
    %get3A_41 = arith.constant 0 : index
    %get3A_42 = arith.constant 0 : index
    %get3A_43 = vector.load %arg6[%get3A_41, %get3A_42] : memref<1x64xf32, #tpu.memory_space<vmem>>, vector<1x64xf32>
    %add3A_44 = vector.broadcast %get3A_43 : vector<1x64xf32> to vector<512x64xf32>
    %add3A_45 = arith.addf %mul3A_40, %add3A_44 : vector<512x64xf32>
    %convert_element_type3A = arith.truncf %add3A_45 : vector<512x64xf32> to vector<512x64xbf16>
    %get3A_46 = arith.constant 0 : index
    %get3A_47 = arith.constant 0 : index
    %get3A_48 = vector.load %arg7[%get3A_46, %get3A_47] : memref<64x256xbf16, #tpu.memory_space<vmem>>, vector<64x256xbf16>
    %dot_general3A = arith.constant dense<0.000000e+00> : vector<512x256xf32>
    %dot_general3A_49 = tpu.matmul %convert_element_type3A, %get3A_48, %dot_general3A {dimension_numbers = #tpu.dot_dimension_numbers<[1], [0], [0], [1], [0, 0, 1, 1], [], []>, transpose_lhs_hint = false} : vector<512x64xbf16>, vector<64x256xbf16>, vector<512x256xf32> -> vector<512x256xf32>
    %get3A_50 = arith.constant 0 : index
    %get3A_51 = arith.constant 0 : index
    %get3A_52 = vector.load %arg8[%get3A_50, %get3A_51] : memref<1x256xf32, #tpu.memory_space<vmem>>, vector<1x256xf32>
    %add3A_53 = vector.broadcast %get3A_52 : vector<1x256xf32> to vector<512x256xf32>
    %add3A_54 = arith.addf %dot_general3A_49, %add3A_53 : vector<512x256xf32>
    %mul3A_55 = arith.constant 5.000000e-01 : f32
    %mul3A_56 = vector.broadcast %mul3A_55 : f32 to vector<512x256xf32>
    %mul3A_57 = arith.mulf %add3A_54, %mul3A_56 : vector<512x256xf32>
    %mul3A_58 = arith.constant 0.707106769 : f32
    %mul3A_59 = vector.broadcast %mul3A_58 : f32 to vector<512x256xf32>
    %mul3A_60 = arith.mulf %add3A_54, %mul3A_59 : vector<512x256xf32>
    %erf3A = math.erf %mul3A_60 : vector<512x256xf32>
    %add3A_61 = arith.constant 1.000000e+00 : f32
    %add3A_62 = vector.broadcast %add3A_61 : f32 to vector<512x256xf32>
    %add3A_63 = arith.addf %add3A_62, %erf3A : vector<512x256xf32>
    %mul3A_64 = arith.mulf %mul3A_57, %add3A_63 : vector<512x256xf32>
    %convert_element_type3A_65 = arith.truncf %mul3A_64 : vector<512x256xf32> to vector<512x256xbf16>
    %get3A_66 = arith.constant 0 : index
    %get3A_67 = arith.constant 0 : index
    %get3A_68 = vector.load %arg9[%get3A_66, %get3A_67] : memref<256x64xbf16, #tpu.memory_space<vmem>>, vector<256x64xbf16>
    %dot_general3A_69 = arith.constant dense<0.000000e+00> : vector<512x64xf32>
    %dot_general3A_70 = tpu.matmul %convert_element_type3A_65, %get3A_68, %dot_general3A_69 {dimension_numbers = #tpu.dot_dimension_numbers<[1], [0], [0], [1], [0, 0, 1, 1], [], []>, transpose_lhs_hint = false} : vector<512x256xbf16>, vector<256x64xbf16>, vector<512x64xf32> -> vector<512x64xf32>
    %get3A_71 = arith.constant 0 : index
    %get3A_72 = arith.constant 0 : index
    %get3A_73 = vector.load %arg10[%get3A_71, %get3A_72] : memref<1x64xf32, #tpu.memory_space<vmem>>, vector<1x64xf32>
    %add3A_74 = vector.broadcast %get3A_73 : vector<1x64xf32> to vector<512x64xf32>
    %add3A_75 = arith.addf %dot_general3A_70, %add3A_74 : vector<512x64xf32>
    %add3A_76 = arith.addf %add3A_19, %add3A_75 : vector<512x64xf32>
    %swap3A = arith.constant 0 : index
    %swap3A_77 = arith.constant 0 : index
    %swap3A_78 = vector.load %arg11[%swap3A, %swap3A_77] : memref<512x64xf32, #tpu.memory_space<vmem>>, vector<512x64xf32>
    tpu.vector_store %arg11[%swap3A, %swap3A_77], %add3A_76 {strides = array<i32>} : memref<512x64xf32, #tpu.memory_space<vmem>>, vector<512x64xf32>,
    return
  }
  func.func @transform_0(%arg0: i32) -> (i32, i32) {
    %c0_i32 = arith.constant 0 : i32
    %c0_i32_0 = arith.constant 0 : i32
    return %arg0, %c0_i32 : i32, i32
  }
  func.func @transform_1(%arg0: i32) -> (i32, i32) {
    %c0_i32 = arith.constant 0 : i32
    %c0_i32_0 = arith.constant 0 : i32
    return %arg0, %c0_i32 : i32, i32
  }
  func.func @transform_2(%arg0: i32) -> (i32, i32) {
    %c0_i32 = arith.constant 0 : i32
    %c0_i32_0 = arith.constant 0 : i32
    %c0_i32_1 = arith.constant 0 : i32
    return %c0_i32, %c0_i32_0 : i32, i32
  }
  func.func @transform_3(%arg0: i32) -> (i32, i32) {
    %c0_i32 = arith.constant 0 : i32
    %c0_i32_0 = arith.constant 0 : i32
    %c0_i32_1 = arith.constant 0 : i32
    return %c0_i32, %c0_i32_0 : i32, i32
  }
  func.func @transform_4(%arg0: i32) -> (i32, i32) {
    %c0_i32 = arith.constant 0 : i32
    %c0_i32_0 = arith.constant 0 : i32
    %c0_i32_1 = arith.constant 0 : i32
    return %c0_i32, %c0_i32_0 : i32, i32
  }
  func.func @transform_5(%arg0: i32) -> (i32, i32) {
    %c0_i32 = arith.constant 0 : i32
    %c0_i32_0 = arith.constant 0 : i32
    %c0_i32_1 = arith.constant 0 : i32
    return %c0_i32, %c0_i32_0 : i32, i32
  }
  func.func @transform_6(%arg0: i32) -> (i32, i32) {
    %c0_i32 = arith.constant 0 : i32
    %c0_i32_0 = arith.constant 0 : i32
    %c0_i32_1 = arith.constant 0 : i32
    return %c0_i32, %c0_i32_0 : i32, i32
  }
  func.func @transform_7(%arg0: i32) -> (i32, i32) {
    %c0_i32 = arith.constant 0 : i32
    %c0_i32_0 = arith.constant 0 : i32
    %c0_i32_1 = arith.constant 0 : i32
    return %c0_i32, %c0_i32_0 : i32, i32
  }
  func.func @transform_8(%arg0: i32) -> (i32, i32) {
    %c0_i32 = arith.constant 0 : i32
    %c0_i32_0 = arith.constant 0 : i32
    %c0_i32_1 = arith.constant 0 : i32
    return %c0_i32, %c0_i32_0 : i32, i32
  }
  func.func @transform_9(%arg0: i32) -> (i32, i32) {
    %c0_i32 = arith.constant 0 : i32
    %c0_i32_0 = arith.constant 0 : i32
    %c0_i32_1 = arith.constant 0 : i32
    return %c0_i32, %c0_i32_0 : i32, i32
  }
  func.func @transform_10(%arg0: i32) -> (i32, i32) {
    %c0_i32 = arith.constant 0 : i32
    %c0_i32_0 = arith.constant 0 : i32
    return %arg0, %c0_i32 : i32, i32
  }
}

</mosaic_0001>

<sc_bundles>
// kernel: kernel.4.cloned.1.call-start
scs
__scs_entry_jumppad:
0x0: {  	(pc) =	sbr.rel $0x88, $3  }
0x1: {  	(tag) =	ssettag $0x0;
	lr =	simm.s32 $0x1  }
0x2: {  	[smem:$0x3F95] =	sst lr;
	_ =	strace $0xD0000000  }
0x3: {  	_ = 	snop  }
0x4: {  	_ = 	snop  }
0x5: {  	_ = 	snop  }
0x6: {  	_ = 	snop  }
0x7: {  	_ = 	snop  }
__scs_overlays_trampoline_lowered:
0x8: {  	[smem:$0x3FA4] =	sst s0  }
0x9: {  	[smem:$0x3FA5] =	sst s1  }
0xa: {  	[smem:$0x3FA6] =	sst s2  }
0xb: {  	[smem:$0x3FA7] =	sst s3  }
0xc: {  	[smem:$0x3FA8] =	sst s4  }
0xd: {  	[smem:$0x3FA9] =	sst s5  }
0xe: {  	[smem:$0x3FAA] =	sst s6  }
0xf: {  	[smem:$0x3FAB] =	sst s7  }
0x10: {  	[smem:$0x3FAC] =	sst s8  }
0x11: {  	[smem:$0x3FAD] =	sst s9;
	s0 =	simm.s32 @!p0 $0x0  }
0x12: {  	s1 =	sld [smem:$0x3F93];
	s0 =	simm.s32 @p0 $0x1  }
0x13: {  	[smem:$0x3FAE] =	sst s0;
	s0 =	simm.s32 @!p1 $0x0  }
0x14: {  	s2 =	sld [smem:$0x3F92];
	s0 =	simm.s32 @p1 $0x1  }
0x15: {  	[smem:$0x3FAF] =	sst s0;
	s0 =	simm.s32 @!p2 $0x0  }
0x16: {  	s3 =	sld [smem:$0x3FDB];
	s0 =	simm.s32 @p2 $0x1  }
0x17: {  	s4 =	simm.s32 $0x1BF5;
	[smem:$0x3FB1] =	sst s0  }
0x18: {  	s0 =	sld [smem:$0x3F94];
	_ =	swait.ge [sflag:s4], $0x0  }
0x19: {  	s7 =	sld [smem:$0x3F95]  }
0x1a: {  	s8 =	sadd.s32 $0xFFFFE003, lr  }
0x1b: {  	s9 =	sadd.s32 $0xFFFFFEF7, lr;
	s5 =	simm.s32 $0xFFFFFFFF;
	p2 =	slt.u32 s8, $0xFFFFF086  }
0x1c: {  	p1 =	slt.u32 s9, $0xF7A;
	s5 =	simm.s32 @!p2 $0x0  }
0x1d: {  	s5 =	simm.s32 @p1 $0x1;
	p0 =	seq.s32 s7, s2  }
0x1e: {  	s7 =	smul.u32 @!p0 $0xF7A, s2;
	p2 =	seq.s32 @!p0 s5, $0x0  }
0x1f: {  	s9 =	smul.u32 $0xF7A, s1;
	s8 =	simm.s32 @!p0 $0x1BF5;
	p2 =	por !p2, p0  }
0x20: {  	[sflag:s8] =	ssyncset.s32 @!p0 $0xFFFFF086;
	s6 =	sadd.s32 @!p0 s3, s7;
	s7 =	simm.s32 @!p0 $0x108  }
0x21: {  	s3 =	sadd.s32 s3, s9;
	s6 =	sadd.s32 @!p0 $0x88, s6;
	s7 =	simm.s32 @p2 $0x1082  }
0x22: {  	[simem:s7], [sflag:s8] =	dma.local @!p0 [hbm:s6], $0xF7A  }
0x23: {  	s9 =	sor.u32 $0xD0000000, s2;
	s6 =	simm.s32 $0x108;
	_ =	swait.ge @!p0 [sflag:s8], $0x0  }
0x24: {  	s3 =	sadd.s32 $0x88, s3;
	s6 =	simm.s32 @!p1 $0x1082;
	[sflag:s4] =	ssyncset.s32 $0xFFFFF086  }
0x25: {  	[simem:s6], [sflag:s4] =	dma.local [hbm:s3], $0xF7A  }
0x26: {  	[smem:$0x3F95] =	sst s1;
	(tag) =	ssettag s2;
	_ =	strace s9  }
0x27: {  	s1 =	sld [smem:$0x3FA5]  }
0x28: {  	s2 =	sld [smem:$0x3FA6]  }
0x29: {  	s4 =	sld [smem:$0x3FA8]  }
0x2a: {  	p0 =	seq.s32 s5, $0x0;
	s5 =	sld [smem:$0x3FA9]  }
0x2b: {  	s6 =	sld [smem:$0x3FAA]  }
0x2c: {  	s7 =	sld [smem:$0x3FAB]  }
0x2d: {  	s3 =	simm.s32 $0x108;
	s8 =	sld [smem:$0x3FAC]  }
0x2e: {  	s3 =	simm.s32 @!p0 $0x1082;
	s9 =	sld [smem:$0x3FAD]  }
0x2f: {  	lr =	sadd.s32 s0, s3;
	s0 =	sld [smem:$0x3FA4]  }
0x30: {  	s3 =	sld [smem:$0x3FA7]  }
0x31: {  	[smem:$0x3FB0] =	sst s10  }
0x32: {  	s10 =	sld [smem:$0x3FAE];
	_ =	sdelay $0x3  }
0x33: {  	p0 =	seq.s32 s10, $0x1;
	s10 =	sld [smem:$0x3FB0];
	_ =	sdelay $0x3  }
0x34: {  	[smem:$0x3FB0] =	sst s10  }
0x35: {  	s10 =	sld [smem:$0x3FAF];
	_ =	sdelay $0x3  }
0x36: {  	p1 =	seq.s32 s10, $0x1;
	s10 =	sld [smem:$0x3FB0];
	_ =	sdelay $0x3  }
0x37: {  	[smem:$0x3FB0] =	sst s10  }
0x38: {  	s10 =	sld [smem:$0x3FB1]  }
0x39: {  	_ = 	snop;
	(pc) =	sbr.ind lr, $3  }
0x3a: {  	_ = 	snop  }
0x3b: {  	_ = 	snop  }
0x3c: {  	p2 =	seq.s32 s10, $0x1;
	s10 =	sld [smem:$0x3FB0]  }
0x3d: {  	_ =	shalt  }
0x3e: {  	_ =	shalt  }
0x3f: {  	_ =	shalt  }
0x40: {  	_ =	shalt  }
0x41: {  	_ =	shalt  }
0x42: {  	_ =	shalt  }
0x43: {  	_ =	shalt  }
0x44: {  	_ =	shalt  }
0x45: {  	_ =	shalt  }
0x46: {  	_ =	shalt  }
0x47: {  	_ =	shalt  }
0x48: {  	_ =	shalt  }
0x49: {  	_ =	shalt  }
0x4a: {  	_ =	shalt  }
0x4b: {  	_ =	shalt  }
0x4c: {  	_ =	shalt  }
0x4d: {  	_ =	shalt  }
0x4e: {  	_ =	shalt  }
0x4f: {  	_ =	shalt  }
0x50: {  	_ =	shalt  }
0x51: {  	_ =	shalt  }
0x52: {  	_ =	shalt  }
0x53: {  	_ =	shalt  }
0x54: {  	_ =	shalt  }
0x55: {  	_ =	shalt  }
0x56: {  	_ =	shalt  }
0x57: {  	_ =	shalt  }
0x58: {  	_ =	shalt  }
0x59: {  	_ =	shalt  }
0x5a: {  	_ =	shalt  }
0x5b: {  	_ =	shalt  }
0x5c: {  	_ =	shalt  }
0x5d: {  	_ =	shalt  }
0x5e: {  	_ =	shalt  }
0x5f: {  	_ =	shalt  }
0x60: {  	_ =	shalt  }
0x61: {  	_ =	shalt  }
0x62: {  	_ =	shalt  }
0x63: {  	_ =	shalt  }
0x64: {  	_ =	shalt  }
0x65: {  	_ =	shalt  }
0x66: {  	_ =	shalt  }
0x67: {  	_ =	shalt  }
0x68: {  	_ =	shalt  }
0x69: {  	_ =	shalt  }
0x6a: {  	_ =	shalt  }
0x6b: {  	_ =	shalt  }
0x6c: {  	_ =	shalt  }
0x6d: {  	_ =	shalt  }
0x6e: {  	_ =	shalt  }
0x6f: {  	_ =	shalt  }
0x70: {  	_ =	shalt  }
0x71: {  	_ =	shalt  }
0x72: {  	_ =	shalt  }
0x73: {  	_ =	shalt  }
0x74: {  	_ =	shalt  }
0x75: {  	_ =	shalt  }
0x76: {  	_ =	shalt  }
0x77: {  	_ =	shalt  }
0x78: {  	_ =	shalt  }
0x79: {  	_ =	shalt  }
0x7a: {  	_ =	shalt  }
0x7b: {  	_ =	shalt  }
0x7c: {  	_ =	shalt  }
0x7d: {  	_ =	shalt  }
0x7e: {  	_ =	shalt  }
0x7f: {  	_ =	shalt  }
0x80: {  	_ =	shalt  }
0x81: {  	_ =	shalt  }
0x82: {  	_ =	shalt  }
0x83: {  	_ =	shalt  }
0x84: {  	_ =	shalt  }
0x85: {  	_ =	shalt  }
0x86: {  	_ =	shalt  }
0x87: {  	_ =	shalt  }
.Lfunc_end0:
.L_simem_size_0:
called_computation.1_lowered:
.L_overlay_start_0:
0x88: {  	s2 =	sld [smem:$0x3FD9]  }
0x89: {  	s3 =	sld [smem:$0x3FFE];
	_ =	sdelay $0x1  }
0x8a: {  	s1 =	srdreg.scid  }
0x8b: {  	s0 =	sand.u32 $0x1, s1  }
0x8c: {  	s17 =	sshll.u32 s0, $0xA;
	s2 =	sadd.s32 s3, s2  }
0x8d: {  	s2 =	sadd.s32 s2, s17  }
0x8e: {  	[smem:$0x3FBC] =	sst s2  }
0x8f: {  	_ = 	snop  }
0x90: {  	s2 =	sld [smem:$0x3FD0];
	(tm) =	ssettm $0x1  }
0x91: {  	s18 =	sld [smem:$0x3FFB];
	_ =	sdelay $0x3  }
0x92: {  	_ =	strace s18  }
0x93: {  	s3 =	sld [smem:$0x3FFC];
	_ =	sdelay $0x3  }
0x94: {  	_ =	strace s3  }
0x95: {  	s3 =	sld [smem:$0x3FFD];
	_ =	sdelay $0x3  }
0x96: {  	_ =	strace s3  }
0x97: {  	_ =	strace $0x8FFFFFFF  }
0x98: {  	s19 =	sld [smem:$0x3FDB];
	_ =	sdelay $0x1  }
0x99: {  	s4 =	simm.s32 $_scs_section_size  }
0x9a: {  	s5 =	simm.s32 $_size__tile_overlayer_lowered;
	s6 =	simm.s32 $_tile_overlayer_lowered  }
0x9b: {  	s22 =	simm.s32 $0x1BFF;
	s21 =	sshll.u32 s6, $0x1;
	s3 =	sadd.s32 s4, s19  }
0x9c: {  	s7 =	simm.s32 $0x0;
	s20 =	sshll.u32 s5, $0x1;
	s5 =	sadd.s32 s21, s3  }
0x9d: {  	[timem:s7], [sflag:s22] =	dma.local [hbm:s5], s20  }
0x9e: {  	_ =	swait.ge [sflag:s22], s20  }
0x9f: {  	s4 =	ssub.s32 $0x0, s20;
	[sflag:s22] =	ssyncset.done $0x0  }
0xa0: {  	[sflag:s22] =	ssyncadd.s32 s4;
	_ =	sdelay $0x1  }
0xa1: {  	s23 =	simm.s32 $0x1B8B  }
0xa2: {  	_ =	swait.ge [sflag:s23], $0x1  }
0xa3: {  	[sflag:s23] =	ssyncset.done $0x0  }
0xa4: {  	s25 =	simm.s32 $0x1B8E;
	s24 =	sld [smem:$0x3FFE];
	[sflag:s23] =	ssyncadd.s32 $0xFFFFFFFF  }
0xa5: {  	s26 =	simm.s32 $execute0_lowered;
	[smem:$0x3FD2] =	sst s25  }
0xa6: {  	s5 =	sshll.u32 s26, $0x1;
	_ =	strace $0x80000046;
	[dreg:$0x1] =	wrdreg $0xFFFFFFFF  }
0xa7: {  	s28 =	simm.s32 $_size_execute0_lowered;
	s3 =	sadd.s32 s3, s5;
	[dreg:$0x0] =	wrdreg $0x0  }
0xa8: {  	s5 =	sshll.u32 s28, $0x1;
	[dreg:$0x2] =	wrdreg s3  }
0xa9: {  	[dreg:$0x3] =	wrdreg s5  }
0xaa: {  	[dreg:$0x4] =	wrdreg $0xC0  }
0xab: {  	_ =	task [dreg:s7], $0x5FFFF  }
0xac: {  	[dreg:$0x1] =	wrdreg $0xFFFFFFFF  }
0xad: {  	[dreg:$0x0] =	wrdreg $0x60  }
0xae: {  	[dreg:$0x2] =	wrdreg s24  }
0xaf: {  	[dreg:$0x3] =	wrdreg s2  }
0xb0: {  	[dreg:$0x4] =	wrdreg $0x9  }
0xb1: {  	_ =	task.clear_ibuf [dreg:s7], $0x5FFFF;
	_ =	strace $0x90000046  }
0xb2: {  	s29 =	simm.s32 $0x9;
	_ =	strace $0x80000048  }
0xb3: {  	_ =	swait.ge [sflag:s29], $0x1  }
0xb4: {  	[sflag:s29] =	ssyncadd.s32 $0xFFFFFFFF  }
0xb5: {  	_ =	strace $0x90000048  }
0xb6: {  	_ =	sfence  }
0xb7: {  	s30 =	sld [smem:$0x0];
	_ =	sdelay $0x2  }
0xb8: {  	s31 =	sshll.u32 s1, $0xD;
	s1 =	sshrl.u32 s1, $0x2  }
0xb9: {  	s3 =	sand.u32 $0x4000, s31;
	s1 =	sadd.s32 s1, s30  }
0xba: {  	s0 =	sor.u32 s3, s0;
	s1 =	sshll.u32 s1, $0x11  }
0xbb: {  	s0 =	sor.u32 s1, s0  }
0xbc: {  	s0 =	sadd.s32 $0x8F2B, s0  }
0xbd: {  	[sflag:s0] =	ssyncadd.remote.s32 $0x1  }
0xbe: {  	_ =	sfence.sel $0xFFFF  }
0xbf: {  	[dreg:$0x0] =	wrdreg $0xFFFFFFFF;
	(pc) =	sbr.abs _section_cstart, $3  }
0xc0: {  	[dreg:$0x1] =	wrdreg $0xFFFFFFFF  }
0xc1: {  	_ =	task.clear_ibuf [dreg:s7], $0x2FFFF;
	_ =	strace $0x9FFFFFFF  }
0xc2: {  	(tm) =	ssettm $0x7FFFFFFF  }
0xc3: {  	_ =	shalt  }
tec
execute0_lowered:
.L_overlay_start_1:
0x0: {  	(tag) =	ssettag $0x1  }
0x1: {  	s4 =	rddreg [dreg:$0x0]  }
0x2: {  	s17 =	rddreg [dreg:$0x1];
	s3 =	srdreg.scid  }
0x3: {  	s1 =	stileid.u32;
	s2 =	simm.s32 $0x0;
	s20 =	simm.s32 $0x100  }
0x4: {  	s21 =	simm.s32 $0x1;
	s22 =	simm.s32 $0x4100;
	s23 =	simm.s32 $0x2  }
0x5: {  	s24 =	simm.s32 $0x0;
	s11 =	sand.u32 $0x1, s3;
	s12 =	smul.u32 $0x3200, s1  }
0x6: {  	s26 =	sshll.u32 s1, $0x1;
	[smem:$0x7FF] =	sst s2;
	s14 =	smul.u32 $0x190000, s1  }
0x7: {  	s3 =	sadd.s32 $0x1E85E00, s4;
	s4 =	sadd.s32 $0x1600, s4;
	s13 =	smul.u32 $0x1900, s11  }
0x8: {  	s5 =	sor.u32 s11, s26;
	s6 =	ssub.s32 $0x2, s11;
	s16 =	smul.u32 $0xC8000, s11  }
0x9: {  	_ =	strace $0x80000047;
	s7 =	smul.u32 $0x1900, s5;
	s8 =	sshrl.u32 s6, $0x1  }
0xa: {  	s28 =	smul.u32 $0xC8000, s5;
	s6 =	ssub.s32 s6, s8;
	s15 =	sadd.s32 s13, s12  }
0xb: {  	s16 =	sadd.s32 s16, s14;
	s7 =	sshrl.u32 s7, $0x3;
	s6 =	smax.u32 s6, $0x1  }
0xc: {  	s8 =	sshrl.u32 s28, $0x3;
	s18 =	sadd.s32 $0x200, s15;
	s29 =	sadd.s32 $0xC000, s16  }
0xd: {  	s19 =	sadd.s32 $0x180, s15;
	s15 =	sadd.s32 $0x8000, s16;
	s5 =	sadd.s32 s17, s7  }
0xe: {  	s8 =	sadd.s32 s4, s8;
	s18 =	sshrl.u32 s18, $0x3;
	s30 =	sshrl.u32 s29, $0x3  }
0xf: {  	s31 =	sshrl.u32 s19, $0x3;
	s19 =	simm.s32 $0x80;
	s7 =	sadd.s32 $0x10, s5  }
0x10: {  	s9 =	sadd.s32 $0x20, s5;
	s10 =	sadd.s32 $0x800, s8;
	s11 =	sadd.s32 $0x310, s5  }
0x11: {  	s12 =	sadd.s32 $0x18000, s8;
	s13 =	sadd.s32 $0x18800, s8;
	s14 =	sadd.s32 s18, s17  }
0x12: {  	s16 =	sadd.s32 s30, s4;
	s17 =	sadd.s32 s31, s17;
	s18 =	simm.s32 $0x3  }
.LBB2_1:
0x13: {  	[tilespmem:s2], [sflag:$0x3] =	stream.linear.gather [hbm4b:s5+s2], $0x80, $0x38;
	[tilespmem:$0x8100] =	vst v63  }
0x14: {  	_ =	swait.ge [sflag:s18], $0x80  }
0x15: {  	[sflag:s18] =	ssyncset.done $0x0  }
0x16: {  	[sflag:s18] =	ssyncadd.s32 $0xFFFFFF80  }
0x17: {  	[tilespmem:s20], [sflag:$0x1] =	stream.indirect.gather [hbm4b:s3+s19], $0x80, s2, s19, $0xb8;
	[tilespmem:$0x8100] =	vst v63  }
0x18: {  	_ =	swait.ge [sflag:s21], $0x4000  }
0x19: {  	[sflag:s21] =	ssyncset.done $0x0  }
0x1a: {  	[sflag:s21] =	ssyncadd.s32 $0xFFFFC000  }
0x1b: {  	[tilespmem:s19], [sflag:$0x3] =	stream.linear.gather [hbm4b:s7+s2], $0x80, $0x38;
	[tilespmem:$0x8100] =	vst v63  }
0x1c: {  	_ =	swait.ge [sflag:s18], $0x80  }
0x1d: {  	[sflag:s18] =	ssyncset.done $0x0  }
0x1e: {  	[sflag:s18] =	ssyncadd.s32 $0xFFFFFF80  }
0x1f: {  	[tilespmem:s22], [sflag:$0x2] =	stream.indirect.gather [hbm4b:s3+s19], $0x80, s19, s19, $0xb8;
	[tilespmem:$0x8100] =	vst v63  }
0x20: {  	_ = 	snop  }
0x21: {  	[hbm4b:s8+s2] =	stream.linear.scatter [tilespmem:s20], [sflag:$0x3], $0x4000, $0x38;
	[tilespmem:$0x8100] =	vst v63  }
0x22: {  	_ =	swait.ge [sflag:s18], $0x4000  }
0x23: {  	[sflag:s18] =	ssyncset.done $0x0  }
0x24: {  	[sflag:s18] =	ssyncadd.s32 $0xFFFFC000  }
0x25: {  	[tilespmem:s2], [sflag:$0x3] =	stream.linear.gather [hbm4b:s9+s2], $0x80, $0x38;
	[tilespmem:$0x8100] =	vst v63  }
0x26: {  	_ =	swait.ge [sflag:s18], $0x80  }
0x27: {  	[sflag:s18] =	ssyncset.done $0x0  }
0x28: {  	[sflag:s18] =	ssyncadd.s32 $0xFFFFFF80  }
0x29: {  	[tilespmem:s20], [sflag:$0x1] =	stream.indirect.gather [hbm4b:s3+s19], $0x80, s2, s19, $0xb8;
	[tilespmem:$0x8100] =	vst v63  }
0x2a: {  	_ =	swait.ge [sflag:s23], $0x4000  }
0x2b: {  	[sflag:s23] =	ssyncset.done $0x0  }
0x2c: {  	[sflag:s23] =	ssyncadd.s32 $0xFFFFC000  }
0x2d: {  	[hbm4b:s10+s2] =	stream.linear.scatter [tilespmem:s22], [sflag:$0x3], $0x4000, $0x38;
	[tilespmem:$0x8100] =	vst v63  }
0x2e: {  	_ =	swait.ge [sflag:s18], $0x4000  }
0x2f: {  	[sflag:s18] =	ssyncset.done $0x0  }
0x30: {  	s25 =	sadd.s32 $0x0, s17;
	[sflag:s18] =	ssyncadd.s32 $0xFFFFC000  }
0x31: {  	[tilespmem:s19], [sflag:$0x3] =	stream.linear.gather [hbm4b:s25+s2], $0x80, $0x38;
	[tilespmem:$0x8100] =	vst v63  }
0x32: {  	_ =	swait.ge [sflag:s18], $0x80  }
0x33: {  	[sflag:s18] =	ssyncset.done $0x0  }
0x34: {  	[sflag:s18] =	ssyncadd.s32 $0xFFFFFF80  }
0x35: {  	[tilespmem:s22], [sflag:$0x2] =	stream.indirect.gather [hbm4b:s3+s19], $0x80, s19, s19, $0xb8;
	[tilespmem:$0x8100] =	vst v63  }
0x36: {  	_ =	swait.ge [sflag:s21], $0x4000  }
0x37: {  	s30 =	sshrl.u32 s15, $0x3;
	[sflag:s21] =	ssyncset.done $0x0  }
0x38: {  	s25 =	sadd.s32 s4, s30;
	[sflag:s21] =	ssyncadd.s32 $0xFFFFC000  }
0x39: {  	[hbm4b:s25+s2] =	stream.linear.scatter [tilespmem:s20], [sflag:$0x3], $0x4000, $0x38;
	[tilespmem:$0x8100] =	vst v63  }
0x3a: {  	_ =	swait.ge [sflag:s18], $0x4000  }
0x3b: {  	[sflag:s18] =	ssyncset.done $0x0  }
0x3c: {  	s31 =	sadd.s32 $0x0, s14;
	[sflag:s18] =	ssyncadd.s32 $0xFFFFC000  }
0x3d: {  	[tilespmem:s2], [sflag:$0x3] =	stream.linear.gather [hbm4b:s31+s2], $0x80, $0x38;
	[tilespmem:$0x8100] =	vst v63  }
0x3e: {  	_ =	swait.ge [sflag:s18], $0x80  }
0x3f: {  	[sflag:s18] =	ssyncset.done $0x0  }
0x40: {  	[sflag:s18] =	ssyncadd.s32 $0xFFFFFF80  }
0x41: {  	[tilespmem:s20], [sflag:$0x1] =	stream.indirect.gather [hbm4b:s3+s19], $0x80, s2, s19, $0xb8;
	[tilespmem:$0x8100] =	vst v63  }
0x42: {  	_ =	swait.ge [sflag:s23], $0x4000  }
0x43: {  	[sflag:s23] =	ssyncset.done $0x0  }
0x44: {  	[sflag:s23] =	ssyncadd.s32 $0xFFFFC000  }
0x45: {  	[hbm4b:s16+s2] =	stream.linear.scatter [tilespmem:s22], [sflag:$0x3], $0x4000, $0x38;
	[tilespmem:$0x8100] =	vst v63  }
0x46: {  	s26 =	simm.s32 $0x20;
	s29 =	simm.s32 $0x40;
	_ =	swait.ge [sflag:s18], $0x4000  }
0x47: {  	s28 =	sadd.s32 $0x8000, s15;
	s25 =	sadd.s32 $0x1000, s16;
	[sflag:s18] =	ssyncset.done $0x0  }
.LBB2_2:
0x48: {  	s30 =	sadd.s32 s26, s17  }
0x49: {  	[sflag:s18] =	ssyncadd.s32 $0xFFFFC000;
	s31 =	smov.u32 s29;
	s0 =	sadd.s32 $0x20, s29  }
0x4a: {  	[tilespmem:s19], [sflag:$0x3] =	stream.linear.gather [hbm4b:s30+s2], $0x80, $0x38;
	[tilespmem:$0x8100] =	vst v63  }
0x4b: {  	p0 =	sne.s32 s29, $0x2C0;
	_ =	swait.ge [sflag:s18], $0x80  }
0x4c: {  	[sflag:s18] =	ssyncset.done $0x0  }
0x4d: {  	[sflag:s18] =	ssyncadd.s32 $0xFFFFFF80  }
0x4e: {  	[tilespmem:s22], [sflag:$0x2] =	stream.indirect.gather [hbm4b:s3+s19], $0x80, s19, s19, $0xb8;
	[tilespmem:$0x8100] =	vst v63  }
0x4f: {  	_ =	swait.ge [sflag:s21], $0x4000  }
0x50: {  	s29 =	sshrl.u32 s28, $0x3;
	[sflag:s21] =	ssyncset.done $0x0  }
0x51: {  	s29 =	sadd.s32 s4, s29;
	[sflag:s21] =	ssyncadd.s32 $0xFFFFC000  }
0x52: {  	[hbm4b:s29+s2] =	stream.linear.scatter [tilespmem:s20], [sflag:$0x3], $0x4000, $0x38;
	[tilespmem:$0x8100] =	vst v63  }
0x53: {  	_ =	swait.ge [sflag:s18], $0x4000  }
0x54: {  	[sflag:s18] =	ssyncset.done $0x0  }
0x55: {  	s29 =	sadd.s32 s26, s14;
	s26 =	smov.u32 s31;
	[sflag:s18] =	ssyncadd.s32 $0xFFFFC000  }
0x56: {  	[tilespmem:s2], [sflag:$0x3] =	stream.linear.gather [hbm4b:s29+s2], $0x80, $0x38;
	[tilespmem:$0x8100] =	vst v63  }
0x57: {  	_ =	swait.ge [sflag:s18], $0x80  }
0x58: {  	[sflag:s18] =	ssyncset.done $0x0  }
0x59: {  	[sflag:s18] =	ssyncadd.s32 $0xFFFFFF80  }
0x5a: {  	[tilespmem:s20], [sflag:$0x1] =	stream.indirect.gather [hbm4b:s3+s19], $0x80, s2, s19, $0xb8;
	[tilespmem:$0x8100] =	vst v63  }
0x5b: {  	_ =	swait.ge [sflag:s23], $0x4000  }
.Ltmp0:
0x5c: {  	[sflag:s23] =	ssyncset.done $0x0;
	(pc) =	sbr.rel @p0 .LBB2_2-.Ltmp0, $4  }
0x5d: {  	[sflag:s23] =	ssyncadd.s32 $0xFFFFC000  }
0x5e: {  	[hbm4b:s25+s2] =	stream.linear.scatter [tilespmem:s22], [sflag:$0x3], $0x4000, $0x38;
	[tilespmem:$0x8100] =	vst v63  }
0x5f: {  	s28 =	sadd.s32 $0x8000, s28;
	_ =	swait.ge [sflag:s18], $0x4000  }
0x60: {  	s29 =	smov.u32 s0;
	s25 =	sadd.s32 $0x1000, s25;
	[sflag:s18] =	ssyncset.done $0x0  }
0x61: {  	s0 =	sadd.s32 s26, s17;
	[sflag:s18] =	ssyncadd.s32 $0xFFFFC000  }
0x62: {  	[tilespmem:s19], [sflag:$0x3] =	stream.linear.gather [hbm4b:s0+s2], $0x80, $0x38;
	[tilespmem:$0x8100] =	vst v63  }
0x63: {  	_ =	swait.ge [sflag:s18], $0x80  }
0x64: {  	[sflag:s18] =	ssyncset.done $0x0  }
0x65: {  	[sflag:s18] =	ssyncadd.s32 $0xFFFFFF80  }
0x66: {  	[tilespmem:s22], [sflag:$0x2] =	stream.indirect.gather [hbm4b:s3+s19], $0x80, s19, s19, $0xb8;
	[tilespmem:$0x8100] =	vst v63  }
0x67: {  	_ =	swait.ge [sflag:s21], $0x4000  }
0x68: {  	s30 =	sshrl.u32 s28, $0x3;
	[sflag:s21] =	ssyncset.done $0x0  }
0x69: {  	s0 =	sadd.s32 s4, s30;
	[sflag:s21] =	ssyncadd.s32 $0xFFFFC000  }
0x6a: {  	[hbm4b:s0+s2] =	stream.linear.scatter [tilespmem:s20], [sflag:$0x3], $0x4000, $0x38;
	[tilespmem:$0x8100] =	vst v63  }
0x6b: {  	_ =	swait.ge [sflag:s18], $0x4000  }
0x6c: {  	[sflag:s18] =	ssyncset.done $0x0  }
0x6d: {  	s31 =	sadd.s32 s26, s14;
	[sflag:s18] =	ssyncadd.s32 $0xFFFFC000  }
0x6e: {  	[tilespmem:s2], [sflag:$0x3] =	stream.linear.gather [hbm4b:s31+s2], $0x80, $0x38;
	[tilespmem:$0x8100] =	vst v63  }
0x6f: {  	_ =	swait.ge [sflag:s18], $0x80  }
0x70: {  	[sflag:s18] =	ssyncset.done $0x0  }
0x71: {  	[sflag:s18] =	ssyncadd.s32 $0xFFFFFF80  }
0x72: {  	[tilespmem:s20], [sflag:$0x1] =	stream.indirect.gather [hbm4b:s3+s19], $0x80, s2, s19, $0xb8;
	[tilespmem:$0x8100] =	vst v63  }
0x73: {  	_ =	swait.ge [sflag:s23], $0x4000  }
0x74: {  	[sflag:s23] =	ssyncset.done $0x0  }
0x75: {  	[sflag:s23] =	ssyncadd.s32 $0xFFFFC000  }
0x76: {  	[hbm4b:s25+s2] =	stream.linear.scatter [tilespmem:s22], [sflag:$0x3], $0x4000, $0x38;
	[tilespmem:$0x8100] =	vst v63  }
0x77: {  	_ =	swait.ge [sflag:s18], $0x4000  }
0x78: {  	[sflag:s18] =	ssyncset.done $0x0  }
0x79: {  	[sflag:s18] =	ssyncadd.s32 $0xFFFFC000  }
0x7a: {  	[tilespmem:s19], [sflag:$0x3] =	stream.linear.gather [hbm4b:s11+s2], $0x80, $0x38;
	[tilespmem:$0x8100] =	vst v63  }
0x7b: {  	_ =	swait.ge [sflag:s18], $0x80  }
0x7c: {  	[sflag:s18] =	ssyncset.done $0x0  }
0x7d: {  	[sflag:s18] =	ssyncadd.s32 $0xFFFFFF80  }
0x7e: {  	[tilespmem:s22], [sflag:$0x2] =	stream.indirect.gather [hbm4b:s3+s19], $0x80, s19, s19, $0xb8;
	[tilespmem:$0x8100] =	vst v63  }
0x7f: {  	_ =	swait.ge [sflag:s21], $0x4000  }
0x80: {  	[sflag:s21] =	ssyncset.done $0x0  }
0x81: {  	[sflag:s21] =	ssyncadd.s32 $0xFFFFC000  }
0x82: {  	[hbm4b:s12+s2] =	stream.linear.scatter [tilespmem:s20], [sflag:$0x3], $0x4000, $0x38;
	[tilespmem:$0x8100] =	vst v63  }
0x83: {  	_ =	swait.ge [sflag:s18], $0x4000  }
0x84: {  	[sflag:s18] =	ssyncset.done $0x0  }
0x85: {  	[sflag:s18] =	ssyncadd.s32 $0xFFFFC000  }
0x86: {  	s24 =	sadd.s32 $0x1, s24;
	_ =	swait.ge [sflag:s23], $0x4000  }
0x87: {  	p0 =	sne.s32 s24, s6;
	[sflag:s23] =	ssyncset.done $0x0  }
.Ltmp1:
0x88: {  	[sflag:s23] =	ssyncadd.s32 $0xFFFFC000;
	(pc) =	sbr.rel @p0 .LBB2_1-.Ltmp1, $4  }
0x89: {  	[hbm4b:s13+s2] =	stream.linear.scatter [tilespmem:s22], [sflag:$0x3], $0x4000, $0x38;
	[tilespmem:$0x8100] =	vst v63  }
0x8a: {  	_ =	swait.ge [sflag:s18], $0x4000  }
0x8b: {  	[sflag:s18] =	ssyncset.done $0x0  }
0x8c: {  	[sflag:s18] =	ssyncadd.s32 $0xFFFFC000  }
0x8d: {  	_ =	sfence.sel $0x180000  }
0x8e: {  	[bflag:$0x0] =	sbarrier.arrive $0xFFFF  }
0x8f: {  	_ =	strace $0x90000047  }
0x90: {  	[bflag:$0x2] =	sbarrier.arrive $0xFFFF  }
0x91: {  	p0 =	sne.s32 s1, $0x0;
	s0 =	rddreg [dreg:$0x2]  }
0x92: {  	s0 =	sadd.s32 @!p0 $0x100000, s0  }
0x93: {  	[sflag:s0] =	ssyncadd.tile.s32 @!p0 $0x1;
	_ =	shalt  }
.Lfunc_end2:
_tile_overlayer_lowered:
.L_overlay_start_2:
0x94: {  	(tag) =	ssettag $0x2  }
0x95: {  	s0 =	rddreg [dreg:$0x0];
	s2 =	stileid.u32  }
0x96: {  	s1 =	rddreg [dreg:$0x1];
	p0 =	sne.s32 s2, $0x0  }
0x97: {  	s3 =	rddreg [dreg:$0x2];
	[bflag:$0x3] =	sbarrier.arrive $0xFFFF;
	s2 =	simm.s32 @!p0 $0x1C03  }
0x98: {  	[timem:s3], [sflag:s2] =	dma.local @!p0 [hbm:s0], s1  }
0x99: {  	s0 =	simm.s32 @!p0 $0x3  }
0x9a: {  	_ =	swait.ge @!p0 [sflag:s0], s1  }
0x9b: {  	s1 =	ssub.s32 @!p0 $0x0, s1;
	[sflag:s0] =	ssyncset.done @!p0 $0x0  }
0x9c: {  	[sflag:s0] =	ssyncadd.s32 @!p0 s1  }
0x9d: {  	[bflag:$0x3] =	sbarrier.arrive $0xFFFF  }
0x9e: {  	_ =	shalt  }

// kernel: sparse-core-data-format-call.cloned.1.call-start
scs
called_computation_lowered:
.L_overlay_start_0:
0x0: {  	s2 =	sld [smem:$0x3FD9]  }
0x1: {  	s3 =	sld [smem:$0x3FFE];
	_ =	sdelay $0x1  }
0x2: {  	s1 =	srdreg.scid  }
0x3: {  	s0 =	sand.u32 $0x1, s1  }
0x4: {  	s18 =	sshll.u32 s0, $0xA;
	s2 =	sadd.s32 s3, s2  }
0x5: {  	s2 =	sadd.s32 s2, s18  }
0x6: {  	[smem:$0x3FBC] =	sst s2  }
0x7: {  	_ = 	snop  }
0x8: {  	s2 =	sld [smem:$0x3FD0];
	(tm) =	ssettm $0x1  }
0x9: {  	s19 =	sld [smem:$0x3FFB];
	_ =	sdelay $0x3  }
0xa: {  	_ =	strace s19  }
0xb: {  	s3 =	sld [smem:$0x3FFC];
	_ =	sdelay $0x3  }
0xc: {  	_ =	strace s3  }
0xd: {  	s3 =	sld [smem:$0x3FFD];
	_ =	sdelay $0x3  }
0xe: {  	_ =	strace s3  }
0xf: {  	_ =	strace $0x8FFFFFFF  }
0x10: {  	s20 =	sld [smem:$0x3FDB];
	_ =	sdelay $0x1  }
0x11: {  	s4 =	simm.s32 $_scs_section_size  }
0x12: {  	s5 =	simm.s32 $_size__tile_overlayer_lowered;
	s6 =	simm.s32 $_tile_overlayer_lowered  }
0x13: {  	s23 =	simm.s32 $0x1BFF;
	s22 =	sshll.u32 s6, $0x1;
	s3 =	sadd.s32 s4, s20  }
0x14: {  	s7 =	simm.s32 $0x0;
	s21 =	sshll.u32 s5, $0x1;
	s5 =	sadd.s32 s22, s3  }
0x15: {  	[timem:s7], [sflag:s23] =	dma.local [hbm:s5], s21  }
0x16: {  	_ =	swait.ge [sflag:s23], s21  }
0x17: {  	s4 =	ssub.s32 $0x0, s21;
	[sflag:s23] =	ssyncset.done $0x0  }
0x18: {  	[sflag:s23] =	ssyncadd.s32 s4;
	_ =	sdelay $0x1  }
0x19: {  	s24 =	simm.s32 $0x1B8B  }
0x1a: {  	_ =	swait.ge [sflag:s24], $0x1  }
0x1b: {  	[sflag:s24] =	ssyncset.done $0x0  }
0x1c: {  	s26 =	simm.s32 $0x1B8E;
	s25 =	sld [smem:$0x3FFE];
	[sflag:s24] =	ssyncadd.s32 $0xFFFFFFFF  }
0x1d: {  	s27 =	simm.s32 $execute0_lowered;
	[smem:$0x3FD2] =	sst s26  }
0x1e: {  	s5 =	sshll.u32 s27, $0x1;
	_ =	strace $0x80000049;
	[dreg:$0x1] =	wrdreg $0xFFFFFFFF  }
0x1f: {  	s28 =	simm.s32 $_size_execute0_lowered;
	s3 =	sadd.s32 s3, s5;
	[dreg:$0x0] =	wrdreg $0x0  }
0x20: {  	s5 =	sshll.u32 s28, $0x1;
	[dreg:$0x2] =	wrdreg s3  }
0x21: {  	[dreg:$0x3] =	wrdreg s5  }
0x22: {  	[dreg:$0x4] =	wrdreg $0xC0  }
0x23: {  	_ =	task [dreg:s7], $0x5FFFF  }
0x24: {  	[dreg:$0x1] =	wrdreg $0xFFFFFFFF  }
0x25: {  	[dreg:$0x0] =	wrdreg $0x60  }
0x26: {  	[dreg:$0x2] =	wrdreg s25  }
0x27: {  	[dreg:$0x3] =	wrdreg s2  }
0x28: {  	[dreg:$0x4] =	wrdreg $0x9  }
0x29: {  	_ =	task.clear_ibuf [dreg:s7], $0x5FFFF;
	_ =	strace $0x90000049  }
0x2a: {  	s29 =	simm.s32 $0x9;
	_ =	strace $0x8000004B  }
0x2b: {  	_ =	swait.ge [sflag:s29], $0x1  }
0x2c: {  	[sflag:s29] =	ssyncadd.s32 $0xFFFFFFFF  }
0x2d: {  	_ =	strace $0x9000004B  }
0x2e: {  	_ =	sfence  }
0x2f: {  	s30 =	sld [smem:$0x0];
	_ =	sdelay $0x2  }
0x30: {  	s31 =	sshll.u32 s1, $0xD;
	s1 =	sshrl.u32 s1, $0x2  }
0x31: {  	s3 =	sand.u32 $0x4000, s31;
	s1 =	sadd.s32 s1, s30  }
0x32: {  	s0 =	sor.u32 s3, s0;
	s1 =	sshll.u32 s1, $0x11  }
0x33: {  	s0 =	sor.u32 s1, s0  }
0x34: {  	s0 =	sadd.s32 $0x8F2B, s0  }
0x35: {  	[sflag:s0] =	ssyncadd.remote.s32 $0x1  }
0x36: {  	_ =	sfence.sel $0xFFFF  }
0x37: {  	[dreg:$0x0] =	wrdreg $0xFFFFFFFF;
	(pc) =	sbr.abs _section_cstart, $3  }
0x38: {  	[dreg:$0x1] =	wrdreg $0xFFFFFFFF  }
0x39: {  	_ =	task.clear_ibuf [dreg:s7], $0x2FFFF;
	_ =	strace $0x9FFFFFFF  }
0x3a: {  	(tm) =	ssettm $0x7FFFFFFF  }
0x3b: {  	_ =	shalt  }
tec
execute0_lowered:
.L_overlay_start_1:
0x0: {  	(tag) =	ssettag $0x1  }
0x1: {  	s0 =	stileid.u32;
	s6 =	rddreg [dreg:$0x0]  }
0x2: {  	s2 =	rddreg [dreg:$0x1];
	s5 =	srdreg.scid  }
0x3: {  	s31 =	simm.s32 $0x2;
	s13 =	simm.s32 $0x0;
	s1 =	sshll.u32 s0, $0x7  }
0x4: {  	s14 =	simm.s32 $0x0;
	s12 =	simm.s32 $0x0;
	s3 =	sand.u32 $0x380, s1  }
0x5: {  	s5 =	sshll.u32 s5, $0x4;
	s6 =	sadd.s32 $0x641A00, s6;
	s4 =	ssub.s32 $0x400, s3  }
0x6: {  	s1 =	rddreg [dreg:$0x2];
	_ =	strace $0x8000004A;
	s7 =	sand.u32 $0x380, s4  }
0x7: {  	s5 =	sand.u32 $0x10, s5;
	p0 =	sne.s32 s7, $0x0;
	s7 =	simm.s32 $0x1  }
.Ltmp0:
0x8: {  	s8 =	sshrl.u32 s4, $0xA;
	s7 =	simm.s32 @!p0 $0x0;
	(pc) =	sbr.rel .LBB1_1-.Ltmp0, $4  }
0x9: {  	s9 =	sor.u32 s0, s5;
	s4 =	simm.s32 $0x1;
	s30 =	sadd.s32 s7, s8  }
0xa: {  	s11 =	smov.u32 s3;
	[sflag:s4] =	ssyncpa.u1 $0x0;
	s5 =	smul.u32 $0x32, s30  }
0xb: {  	[sflag:s31] =	ssyncpa.u1 $0x0;
	p0 =	por $0x0, $0x0;
	s7 =	sshrl.u32 s9, $0x3  }
0xc: {  	s9 =	simm.s32 $0x2000;
	s10 =	smov.u32 s7;
	s8 =	sor.u32 $0x1, s5  }
.LBB1_4:
0xd: {  	s17 =	sand.u32 $0x1F80, s14;
	s13 =	sshll.u32 s13, $0xD  }
0xe: {  	[tilespmem:s16+$0x810 ss:$0x81] =	vst.msk $0xffff, v2;
	s18 =	sshrl.u32 s14, $0x3;
	s31 =	sand.u32 $0x7, s14;
	s17 =	sadd.s32 s2, s17  }
0xf: {  	[tilespmem:s16+$0x1020 ss:$0x81] =	vst.msk $0xffff, v0;
	s18 =	sand.u32 $0xF, s18;
	s14 =	sshll.u32 s31, $0x12;
	s13 =	sadd.s32 s13, s17  }
0x10: {  	[tilespmem:s16+$0x0 ss:$0x81] =	vst.msk $0xffff, v1;
	s14 =	sor.u32 $0x400, s14;
	s13 =	sadd.s32 s18, s13  }
0x11: {  	[hbm4b:s13+s14] =	stream.strided.scatter [tilespmem:s15], [sflag:$0x2], $0x2000, s9, s14, $0x20;
	[tilespmem:$0x8080] =	vst v63  }
.LBB1_5:
0x12: {  	s15 =	sadd.s32 $0x4, s10  }
0x13: {  	s13 =	sadd.s32 $0x400, s11;
	s17 =	smov.u32 s11;
	p2 =	sgt.s32 s15, $0xC7  }
0x14: {  	s17 =	smov.u32 @p2 s13  }
0x15: {  	s15 =	smov.u32 @p2 s7;
	p2 =	sgt.s32 s17, $0x3FF  }
0x16: {  	s17 =	smov.u32 @p2 s3;
	p2 =	sne.s32 s12, s8  }
.Ltmp1:
0x17: {  	p1 =	slt.u32 s12, $0x2;
	(pc) =	sbr.rel @!p2 .LBB1_6-.Ltmp1, $4  }
0x18: {  	s16 =	simm.s32 @!p1 $0x2  }
0x19: {  	s14 =	smov.u32 s11;
	p0 =	por !p0, !p0;
	_ =	swait.ge @!p1 [sflag:s16], $0x2000  }
0x1a: {  	s13 =	smov.u32 s10;
	[sflag:s16] =	ssyncset.done @!p1 $0x0;
	s10 =	smov.u32 s15  }
0x1b: {  	s12 =	sadd.s32 $0x1, s12;
	[sflag:s16] =	ssyncadd.s32 @!p1 $0xFFFFE000;
	s11 =	smov.u32 s17  }
.LBB1_1:
0x1c: {  	p1 =	sge.u32 s12, s5  }
0x1d: {  	s15 =	sand.u32 @!p1 $0x1FFFFFF, s10  }
0x1e: {  	s16 =	smulhi.u32 @!p1 $0x147AE15, s15;
	_ =	sdelay $0x1  }
0x1f: {  	s16 =	smul.u32 @!p1 $0xC8, s16  }
0x20: {  	s17 =	sxor.u32 @!p1 $0xFFFFFFFF, s12;
	s18 =	smul.u32 @!p1 $0xC80, s11  }
0x21: {  	s31 =	sadd.s32 $0xFFFFFFFF, s12;
	s17 =	sshll.u32 @!p1 s17, $0xD;
	s15 =	ssub.s32 @!p1 s15, s16  }
0x22: {  	s16 =	sand.u32 @!p1 $0x2000, s17;
	s17 =	sadd.s32 @!p1 s6, s18;
	s15 =	sshll.u32 @!p1 s15, $0x4  }
0x23: {  	s18 =	simm.s32 @!p1 $0x6400;
	s15 =	sadd.s32 @!p1 s15, s17;
	s17 =	simm.s32 @!p1 $0x40  }
0x24: {  	[tilespmem:s16], [sflag:$0x1] =	stream.strided.gather @!p1 [hbm4b:s15+s17], $0x2000, s18, s17, $0x38;
	[tilespmem:$0x8080] =	vst v63  }
0x25: {  	p1 =	sge.u32 s31, s5  }
.Ltmp2:
0x26: {  	_ = 	snop;
	(pc) =	sbr.rel @p1 .LBB1_5-.Ltmp2, $1  }
0x27: {  	_ =	sdelay $0x3  }
0x28: {  	s15 =	simm.s32 $0x1  }
0x29: {  	_ =	swait.ge [sflag:s4], $0x2000;
	s15 =	simm.s32 @!p0 $0x0  }
0x2a: {  	[sflag:s4] =	ssyncset.done $0x0;
	s16 =	sshll.u32 s15, $0xD  }
0x2b: {  	[sflag:s4] =	ssyncadd.s32 $0xFFFFE000;
	s19 =	sor.u32 $0x20, s16  }
0x2c: {  	s15 =	smul.u32 $0x8100, s15;
	v3 =	vld [tilespmem:s19+$0x10]  }
0x2d: {  	s30 =	sand.u32 $0x1, s12;
	v2 =	vld [tilespmem:s19+$0xFFFFFFF0]  }
0x2e: {  	s16 =	smul.u32 $0x8100, s30;
	s15 =	sshrl.u32 s15, $0x2;
	v0 =	vld [tilespmem:s19+$0x0]  }
0x2f: {  	v1 =	vld [tilespmem:s19+$0xFFFFFFE0];
	s17 =	sor.u32 $0x4000, s15  }
0x30: {  	s31 =	sshrl.u32 s16, $0x2;
	s16 =	sadd.s32 $0x0, s17  }
0x31: {  	s18 =	simm.s32 $0x4;
	s19 =	sadd.s32 $0x40, s19;
	s15 =	sor.u32 $0x4000, s31;
	[tilespmem:s16+$0x1830 ss:$0x81] =	vst.msk $0xffff, v3  }
.LBB1_3:
0x32: {  	v3 =	vld [tilespmem:s19+$0x10];
	p1 =	sne.s32 s18, $0x1FC;
	[tilespmem:s16+$0x810 ss:$0x81] =	vst.msk $0xffff, v2;
	s20 =	smov.u32 s18;
	s18 =	sadd.s32 $0x4, s18  }
.Ltmp3:
0x33: {  	v2 =	vld [tilespmem:s19+$0xFFFFFFF0];
	[tilespmem:s16+$0x1020 ss:$0x81] =	vst.msk $0xffff, v0;
	(pc) =	sbr.rel @p1 .LBB1_3-.Ltmp3, $4  }
0x34: {  	v0 =	vld [tilespmem:s19+$0x0];
	[tilespmem:s16+$0x0 ss:$0x81] =	vst.msk $0xffff, v1  }
0x35: {  	s16 =	sshra.s32 s20, $0x2;
	v1 =	vld [tilespmem:s19+$0xFFFFFFE0]  }
0x36: {  	s16 =	sadd.s32 s16, s17  }
0x37: {  	s19 =	sadd.s32 $0x40, s19;
	[tilespmem:s16+$0x1830 ss:$0x81] =	vst.msk $0xffff, v3  }
.Ltmp4:
0x38: {  	_ = 	snop;
	(pc) =	sbr.rel .LBB1_4-.Ltmp4, $1  }
0x39: {  	_ =	sdelay $0x3  }
.LBB1_6:
0x3a: {  	_ =	sfence.sel $0x180000  }
0x3b: {  	s2 =	simm.s32 $0x1;
	[bflag:$0x0] =	sbarrier.arrive $0xFFFF  }
0x3c: {  	s31 =	simm.s32 $0x2;
	[sflag:s2] =	ssyncpa.u1 $0x1  }
0x3d: {  	[sflag:s31] =	ssyncpa.u1 $0x1  }
0x3e: {  	p0 =	sne.s32 s0, $0x0;
	_ =	strace $0x9000004A  }
0x3f: {  	s0 =	sadd.s32 @!p0 $0x100000, s1;
	[bflag:$0x2] =	sbarrier.arrive $0xFFFF  }
0x40: {  	[sflag:s0] =	ssyncadd.tile.s32 @!p0 $0x1;
	_ =	shalt  }
.Lfunc_end1:
_tile_overlayer_lowered:
.L_overlay_start_2:
0x41: {  	(tag) =	ssettag $0x2  }
0x42: {  	s0 =	rddreg [dreg:$0x0];
	s2 =	stileid.u32  }
0x43: {  	s1 =	rddreg [dreg:$0x1];
	p0 =	sne.s32 s2, $0x0  }
0x44: {  	s3 =	rddreg [dreg:$0x2];
	[bflag:$0x3] =	sbarrier.arrive $0xFFFF;
	s2 =	simm.s32 @!p0 $0x1C01  }
0x45: {  	[timem:s3], [sflag:s2] =	dma.local @!p0 [hbm:s0], s1  }
0x46: {  	s0 =	simm.s32 @!p0 $0x1  }
0x47: {  	_ =	swait.ge @!p0 [sflag:s0], s1  }
0x48: {  	s1 =	ssub.s32 @!p0 $0x0, s1;
	[sflag:s0] =	ssyncset.done @!p0 $0x0  }
0x49: {  	[sflag:s0] =	ssyncadd.s32 @!p0 s1  }
0x4a: {  	[bflag:$0x3] =	sbarrier.arrive $0xFFFF  }
0x4b: {  	_ =	shalt  }

</sc_bundles>
